<compile_context>
chip_gen: v7x
topology: tpu7x:2x2x1
jax: 0.10.2.dev20260603
libtpu: 0.0.44.dev20260713+nightly
codegen_flags: <defaults>
</compile_context>

<pallas_src>
import jax
import jax.numpy as jnp
from jax.experimental import pallas as pl
from jax.experimental.pallas import tpu as pltpu


def _copy_body(x_ref, o_ref):
    o_ref[...] = x_ref[...]


def kernel(x, conv_w, conv_b):
    B, C_, H, W = x.shape
    R = 16
    rows = B * C_
    S_TOT = H * W
    xf = x.reshape(rows, S_TOT)
    out = pl.pallas_call(
        _copy_body,
        grid=(rows // R,),
        out_shape=jax.ShapeDtypeStruct((rows, S_TOT), jnp.float32),
        in_specs=[pl.BlockSpec((R, S_TOT), lambda r: (r, 0))],
        out_specs=pl.BlockSpec((R, S_TOT), lambda r: (r, 0)),
        compiler_params=pltpu.CompilerParams(
            dimension_semantics=("parallel",)),
    )(xf)
    return out.reshape(B, C_, H, W)

# --- scband reference (transcript-rebuilt; emitter-appended) ---
"""Pipeline reference for scband-center-guided-spatial-attention-75084618268984 (READ-ONLY COPY).

The authoritative reference and input builder live on the scoring server;
editing this copy changes nothing except your own understanding.
"""

import jax, jax.numpy as jnp
import numpy as np

K = 32

def setup_inputs(seed: int = 0) -> dict:
    key = jax.random.key(seed)
    k1, k2, k3 = jax.random.split(key, 3)
    x = jax.random.normal(k1, (4, 384, 224, 224), dtype=jnp.float32)
    # Conv2d(k, 1, kernel_size=1) parameters
    conv_w = jax.random.normal(k2, (1, K, 1, 1), dtype=jnp.float32) * 0.1
    conv_b = jax.random.normal(k3, (1,), dtype=jnp.float32) * 0.1
    return {"x": x, "conv_w": conv_w, "conv_b": conv_b}

def reference(x, conv_w, conv_b):
    B, C, H, W = x.shape
    # center features: x[:, :, H//2, W//2] -> [B, C]
    center_features = x[:, :, H // 2, W // 2]
    # top-k over channel dim
    _, topk_indices = jax.lax.top_k(center_features, K)  # [B, K]
    idx = jnp.broadcast_to(topk_indices[:, :, None, None], (B, K, H, W))
    # gather the top-k feature maps along channel dim
    topk_feature_maps = jnp.take_along_axis(x, idx, axis=1)  # [B, K, H, W]
    # 1x1 conv (K -> 1) is a weighted sum over the K channels plus bias
    w = conv_w[0, :, 0, 0]  # [K]
    attention_logits = jnp.einsum('bkhw,k->bhw', topk_feature_maps, w) + conv_b[0]
    attention_logits = attention_logits[:, None, :, :]  # [B, 1, H, W]
    attention_map = jax.nn.sigmoid(attention_logits)
    attended_features = x * attention_map
    return attended_features

if __name__ == "__main__":
    import jax
    _d = setup_inputs()
    print(jax.jit(kernel)(*tuple(_d.values())))

</pallas_src>

<mosaic_0001>
module attributes {stable_mosaic.version = 14 : i64} {
  func.func @_copy_body(%arg0: i32, %arg1: memref<16x50176xf32, #tpu.memory_space<vmem>>, %arg2: memref<16x50176xf32, #tpu.memory_space<vmem>>) attributes {dimension_semantics = [#tpu.dimension_semantics<parallel>], iteration_bounds = array<i64: 96>, scalar_prefetch = 0 : i64, scratch_operands = 0 : i64, tpu.core_type = #tpu.core_type<tc>, window_params = [{transform_indices = @transform_0, window_bounds = array<i64: 16, 50176>}, {transform_indices = @transform_1, window_bounds = array<i64: 16, 50176>}]} {
    %get3A = arith.constant 0 : index
    %get3A_0 = arith.constant 0 : index
    %get3A_1 = vector.load %arg1[%get3A, %get3A_0] : memref<16x50176xf32, #tpu.memory_space<vmem>>, vector<16x50176xf32>
    %swap3A = arith.constant 0 : index
    %swap3A_2 = arith.constant 0 : index
    %swap3A_3 = vector.load %arg2[%swap3A, %swap3A_2] : memref<16x50176xf32, #tpu.memory_space<vmem>>, vector<16x50176xf32>
    tpu.vector_store %arg2[%swap3A, %swap3A_2], %get3A_1 {strides = array<i32>} : memref<16x50176xf32, #tpu.memory_space<vmem>>, vector<16x50176xf32>,
    return
  }
  func.func @transform_0(%arg0: i32) -> (i32, i32) {
    %c0_i32 = arith.constant 0 : i32
    %c0_i32_0 = arith.constant 0 : i32
    return %arg0, %c0_i32 : i32, i32
  }
  func.func @transform_1(%arg0: i32) -> (i32, i32) {
    %c0_i32 = arith.constant 0 : i32
    %c0_i32_0 = arith.constant 0 : i32
    return %arg0, %c0_i32 : i32, i32
  }
}

</mosaic_0001>

<sc_bundles>
// kernel: sparse-core-data-format-call.1.cloned.1.call-start
scs
called_computation.1_lowered:
.L_overlay_start_0:
0x0: {  	s2 =	sld [smem:$0x3FD9]  }
0x1: {  	s3 =	sld [smem:$0x3FFE];
	_ =	sdelay $0x1  }
0x2: {  	s1 =	srdreg.scid  }
0x3: {  	s0 =	sand.u32 $0x1, s1  }
0x4: {  	s18 =	sshll.u32 s0, $0xA;
	s2 =	sadd.s32 s3, s2  }
0x5: {  	s2 =	sadd.s32 s2, s18  }
0x6: {  	[smem:$0x3FC7] =	sst s2  }
0x7: {  	_ = 	snop  }
0x8: {  	s2 =	sld [smem:$0x3FC9];
	(tm) =	ssettm $0x1  }
0x9: {  	s19 =	sld [smem:$0x3FFB];
	_ =	sdelay $0x3  }
0xa: {  	_ =	strace s19  }
0xb: {  	s3 =	sld [smem:$0x3FFC];
	_ =	sdelay $0x3  }
0xc: {  	_ =	strace s3  }
0xd: {  	s3 =	sld [smem:$0x3FFD];
	_ =	sdelay $0x3  }
0xe: {  	_ =	strace s3  }
0xf: {  	_ =	strace $0x8FFFFFFF  }
0x10: {  	s20 =	sld [smem:$0x3FDB];
	_ =	sdelay $0x1  }
0x11: {  	s4 =	simm.s32 $_scs_section_size  }
0x12: {  	s5 =	simm.s32 $_size__tile_overlayer_lowered;
	s6 =	simm.s32 $_tile_overlayer_lowered  }
0x13: {  	s23 =	simm.s32 $0x1BFF;
	s22 =	sshll.u32 s6, $0x1;
	s3 =	sadd.s32 s4, s20  }
0x14: {  	s7 =	simm.s32 $0x0;
	s21 =	sshll.u32 s5, $0x1;
	s5 =	sadd.s32 s22, s3  }
0x15: {  	[timem:s7], [sflag:s23] =	dma.local [hbm:s5], s21  }
0x16: {  	_ =	swait.ge [sflag:s23], s21  }
0x17: {  	s4 =	ssub.s32 $0x0, s21;
	[sflag:s23] =	ssyncset.done $0x0  }
0x18: {  	[sflag:s23] =	ssyncadd.s32 s4;
	_ =	sdelay $0x1  }
0x19: {  	s24 =	simm.s32 $0x1B8B  }
0x1a: {  	_ =	swait.ge [sflag:s24], $0x1  }
0x1b: {  	[sflag:s24] =	ssyncset.done $0x0  }
0x1c: {  	s26 =	simm.s32 $0x1B8E;
	s25 =	sld [smem:$0x3FFE];
	[sflag:s24] =	ssyncadd.s32 $0xFFFFFFFF  }
0x1d: {  	s27 =	simm.s32 $execute0_lowered;
	[smem:$0x3FD2] =	sst s26  }
0x1e: {  	s5 =	sshll.u32 s27, $0x1;
	_ =	strace $0x80000046;
	[dreg:$0x1] =	wrdreg $0xFFFFFFFF  }
0x1f: {  	s28 =	simm.s32 $_size_execute0_lowered;
	s3 =	sadd.s32 s3, s5;
	[dreg:$0x0] =	wrdreg $0x0  }
0x20: {  	s5 =	sshll.u32 s28, $0x1;
	[dreg:$0x2] =	wrdreg s3  }
0x21: {  	[dreg:$0x3] =	wrdreg s5  }
0x22: {  	[dreg:$0x4] =	wrdreg $0xC0  }
0x23: {  	_ =	task [dreg:s7], $0x5FFFF  }
0x24: {  	[dreg:$0x1] =	wrdreg $0xFFFFFFFF  }
0x25: {  	[dreg:$0x0] =	wrdreg $0x60  }
0x26: {  	[dreg:$0x2] =	wrdreg s2  }
0x27: {  	[dreg:$0x3] =	wrdreg s25  }
0x28: {  	[dreg:$0x4] =	wrdreg $0x9  }
0x29: {  	_ =	task.clear_ibuf [dreg:s7], $0x5FFFF;
	_ =	strace $0x90000046  }
0x2a: {  	s29 =	simm.s32 $0x9;
	_ =	strace $0x80000048  }
0x2b: {  	_ =	swait.ge [sflag:s29], $0x1  }
0x2c: {  	[sflag:s29] =	ssyncadd.s32 $0xFFFFFFFF  }
0x2d: {  	_ =	strace $0x90000048  }
0x2e: {  	_ =	sfence  }
0x2f: {  	s30 =	sld [smem:$0x0];
	_ =	sdelay $0x2  }
0x30: {  	s31 =	sshll.u32 s1, $0xD;
	s1 =	sshrl.u32 s1, $0x2  }
0x31: {  	s3 =	sand.u32 $0x4000, s31;
	s1 =	sadd.s32 s1, s30  }
0x32: {  	s0 =	sor.u32 s3, s0;
	s1 =	sshll.u32 s1, $0x11  }
0x33: {  	s0 =	sor.u32 s1, s0  }
0x34: {  	s0 =	sadd.s32 $0x8F2B, s0  }
0x35: {  	[sflag:s0] =	ssyncadd.remote.s32 $0x1  }
0x36: {  	_ =	sfence.sel $0xFFFF  }
0x37: {  	[dreg:$0x0] =	wrdreg $0xFFFFFFFF;
	(pc) =	sbr.abs _section_cstart, $3  }
0x38: {  	[dreg:$0x1] =	wrdreg $0xFFFFFFFF  }
0x39: {  	_ =	task.clear_ibuf [dreg:s7], $0x2FFFF;
	_ =	strace $0x9FFFFFFF  }
0x3a: {  	(tm) =	ssettm $0x7FFFFFFF  }
0x3b: {  	_ =	shalt  }
tec
execute0_lowered:
.L_overlay_start_1:
0x0: {  	(tag) =	ssettag $0x1  }
0x1: {  	s2 =	rddreg [dreg:$0x0]  }
0x2: {  	s3 =	rddreg [dreg:$0x1]  }
0x3: {  	s1 =	srdreg.scid;
	s0 =	rddreg [dreg:$0x2];
	_ =	strace $0x80000047  }
0x4: {  	s7 =	simm.s32 $0x2;
	s15 =	simm.s32 $0x0;
	p0 =	por $0x0, $0x0  }
0x5: {  	s8 =	simm.s32 $0xE000;
	s14 =	simm.s32 $0x0;
	s17 =	simm.s32 $0x0  }
0x6: {  	s16 =	simm.s32 $0x0;
	s10 =	simm.s32 $0x0;
	s11 =	simm.s32 $0x0  }
.Ltmp0:
0x7: {  	s9 =	simm.s32 $0x0;
	s4 =	sshll.u32 s1, $0x4;
	(pc) =	sbr.rel .LBB1_1-.Ltmp0, $4  }
0x8: {  	s1 =	stileid.u32;
	s3 =	sadd.s32 $0x800, s3;
	s4 =	sand.u32 $0x10, s4  }
0x9: {  	s5 =	sand.u32 $0x3, s1;
	s6 =	sor.u32 s1, s4;
	s4 =	simm.s32 $0x1  }
0xa: {  	s13 =	smov.u32 s5;
	[sflag:s4] =	ssyncpa.u1 $0x0;
	s6 =	sshrl.u32 s6, $0x2  }
0xb: {  	[sflag:s7] =	ssyncpa.u1 $0x0;
	s7 =	simm.s32 $0xC00;
	s12 =	smov.u32 s6  }
.LBB1_3:
0xc: {  	p1 =	seq.s32 s9, $0x0  }
0xd: {  	p2 =	seq.s32 @!p1 s9, $0xA9  }
0xe: {  	p1 =	por p1, p2  }
.Ltmp1:
0xf: {  	_ = 	snop;
	(pc) =	sbr.rel @!p1 .LBB1_4-.Ltmp1, $1  }
0x10: {  	_ =	sdelay $0x3  }
.LBB1_7:
0x11: {  	s18 =	sadd.s32 $0x80, s10  }
0x12: {  	s14 =	sadd.s32 $0x80, s11;
	s19 =	smov.u32 s11;
	p2 =	sgt.s32 s18, $0x17F  }
0x13: {  	s19 =	smov.u32 @p2 s14  }
0x14: {  	s20 =	smov.u32 s12;
	s14 =	sadd.s32 $0x8, s12;
	p3 =	sgt.s32 s19, $0xDF  }
0x15: {  	s20 =	smov.u32 @p3 s14  }
0x16: {  	s21 =	smov.u32 s13;
	s14 =	sadd.s32 $0x4, s13;
	p4 =	sgt.s32 s20, $0xDF  }
0x17: {  	p1 =	slt.u32 s9, $0x2;
	s21 =	smov.u32 @p4 s14  }
0x18: {  	s9 =	sadd.s32 $0x1, s9;
	s18 =	simm.s32 @p2 $0x0;
	p2 =	sgt.s32 s21, $0x3  }
0x19: {  	s15 =	smov.u32 s10;
	s21 =	smov.u32 @p2 s5;
	p2 =	sne.s32 s9, $0xAA  }
.Ltmp2:
0x1a: {  	s17 =	smov.u32 s12;
	s22 =	simm.s32 @!p1 $0x2;
	(pc) =	sbr.rel @!p2 .LBB1_8-.Ltmp2, $4  }
0x1b: {  	s16 =	smov.u32 s13;
	p0 =	por !p0, !p0;
	_ =	swait.ge @!p1 [sflag:s22], $0x4000  }
0x1c: {  	[sflag:s22] =	ssyncset.done @!p1 $0x0;
	s10 =	smov.u32 s18;
	s19 =	simm.s32 @p3 $0x0  }
0x1d: {  	[sflag:s22] =	ssyncadd.s32 @!p1 $0xFFFFC000;
	s20 =	smov.u32 @p4 s6;
	s14 =	smov.u32 s11  }
0x1e: {  	s11 =	smov.u32 s19;
	s12 =	smov.u32 s20;
	s13 =	smov.u32 s21  }
.LBB1_1:
0x1f: {  	p1 =	sgt.u32 s9, $0xA7  }
.Ltmp3:
0x20: {  	_ = 	snop;
	(pc) =	sbr.rel @p1 .LBB1_3-.Ltmp3, $1  }
0x21: {  	_ =	sdelay $0x3  }
0x22: {  	s18 =	sshrl.u32 s11, $0x3  }
0x23: {  	s19 =	sshll.u32 s10, $0x3;
	s18 =	smul.u32 $0xC00, s18  }
0x24: {  	s20 =	sshll.u32 s11, $0x7;
	s19 =	sand.u32 $0xFFFFFC00, s19  }
0x25: {  	s24 =	sand.u32 $0x380, s20;
	s18 =	sadd.s32 s18, s19  }
0x26: {  	s25 =	sand.u32 $0x7F, s10;
	s18 =	sor.u32 s24, s18  }
0x27: {  	p1 =	sgt.s32 s13, $0x3;
	s21 =	smov.u32 s13;
	s19 =	sor.u32 s25, s18  }
0x28: {  	s22 =	sshra.s32 s13, $0x1F;
	s23 =	sxor.u32 $0xFFFFFFFF, s9;
	s20 =	smulhi.u32 $0xAAAAAAAB, s19  }
0x29: {  	s28 =	sshra.s32 s12, $0x1F;
	s21 =	simm.s32 @!p1 $0x3;
	s22 =	sand.u32 s22, s13  }
0x2a: {  	s31 =	sshra.s32 s10, $0x1F;
	s21 =	ssub.s32 s21, s22;
	s20 =	sshrl.u32 s20, $0x8  }
0x2b: {  	s26 =	sshll.u32 s23, $0xE;
	s27 =	sadd.s32 $0xFFFFFFFD, s21;
	s20 =	smul.u32 $0x180, s20  }
0x2c: {  	s23 =	sand.u32 s28, s12;
	p1 =	sgt.s32 s27, $0x0;
	s24 =	sshra.s32 s11, $0x1F  }
0x2d: {  	s18 =	smulhi.u32 $0xAAAAAAAB, s18;
	s19 =	ssub.s32 s19, s20;
	s20 =	ssub.s32 $0x4, s21  }
0x2e: {  	s21 =	smov.u32 s12;
	s20 =	simm.s32 @p1 $0x0;
	p1 =	sgt.s32 s12, $0xDF  }
0x2f: {  	s24 =	sand.u32 s24, s11;
	s18 =	sshrl.u32 s18, $0x8;
	s21 =	simm.s32 @!p1 $0xDF  }
0x30: {  	p1 =	sgt.s32 s11, $0x60;
	s21 =	ssub.s32 s21, s23;
	s23 =	smov.u32 s11  }
0x31: {  	s29 =	smulhi.u32 $0x124924A, s18;
	s25 =	sadd.s32 $0xFFFFFF21, s21;
	s23 =	simm.s32 @!p1 $0x60  }
0x32: {  	s21 =	ssub.s32 $0xE0, s21;
	p1 =	sgt.s32 s25, $0x0;
	s23 =	ssub.s32 s23, s24  }
0x33: {  	s24 =	smul.u32 $0xE0, s29;
	s21 =	simm.s32 @p1 $0x0;
	s30 =	sadd.s32 $0xFFFFFFA0, s23  }
0x34: {  	s20 =	smul.u32 s20, s21;
	p1 =	sgt.s32 s30, $0x7F;
	s21 =	ssub.s32 $0xE0, s23  }
0x35: {  	s23 =	smov.u32 s10;
	s21 =	simm.s32 @p1 $0x0;
	p1 =	sgt.s32 s10, $0x100  }
0x36: {  	s27 =	smul.u32 $0x2A00, s12;
	s25 =	sand.u32 s31, s10;
	s23 =	simm.s32 @!p1 $0x100  }
0x37: {  	s18 =	ssub.s32 s18, s24;
	s20 =	smul.u32 s21, s20;
	s25 =	ssub.s32 s23, s25  }
0x38: {  	s21 =	sand.u32 $0x4000, s26;
	s26 =	smul.u32 $0x24C000, s13;
	s23 =	sadd.s32 $0xFFFFFF00, s25  }
0x39: {  	s18 =	smul.u32 $0x30, s18;
	s22 =	ssub.s32 $0x180, s25;
	p1 =	sgt.s32 s23, $0x7F  }
.Ltmp4:
0x3a: {  	s24 =	sadd.s32 s2, s26;
	s22 =	simm.s32 @p1 $0x0;
	(pc) =	sbr.rel .LBB1_3-.Ltmp4, $4  }
0x3b: {  	s29 =	sand.u32 $0x7, s19;
	s28 =	sadd.s32 s27, s24;
	s20 =	smul.u32 s22, s20  }
0x3c: {  	s19 =	sshrl.u32 s19, $0x3;
	s30 =	sshll.u32 s29, $0x12;
	s18 =	sadd.s32 s18, s28  }
0x3d: {  	s31 =	sor.u32 $0x400, s30;
	s18 =	sadd.s32 s19, s18;
	s20 =	sand.u32 $0x3FFFFFFF, s20  }
0x3e: {  	[tilespmem:s21], [sflag:$0x1] =	stream.strided.gather [hbm4b:s18+s31], s20, s7, s31, $0x38;
	[tilespmem:$0x10100] =	vst v63  }
.LBB1_4:
0x3f: {  	p1 =	sgt.s32 s16, $0x3;
	s18 =	smov.u32 s16;
	s19 =	sshra.s32 s16, $0x1F  }
0x40: {  	s20 =	smov.u32 s17;
	s21 =	sshra.s32 s17, $0x1F;
	s25 =	sshra.s32 s14, $0x1F  }
0x41: {  	s18 =	simm.s32 @!p1 $0x3;
	s19 =	sand.u32 s19, s16;
	p1 =	sgt.s32 s17, $0xDF  }
0x42: {  	s23 =	sand.u32 s21, s17;
	s18 =	ssub.s32 s18, s19;
	s20 =	simm.s32 @!p1 $0xDF  }
0x43: {  	s27 =	sshra.s32 s15, $0x1F;
	s24 =	sadd.s32 $0xFFFFFFFD, s18;
	s19 =	ssub.s32 s20, s23  }
0x44: {  	s18 =	ssub.s32 $0x4, s18;
	p1 =	sgt.s32 s24, $0x0;
	s20 =	sadd.s32 $0xFFFFFF21, s19  }
0x45: {  	s19 =	ssub.s32 $0xE0, s19;
	s18 =	simm.s32 @p1 $0x0;
	p1 =	sgt.s32 s20, $0x0  }
0x46: {  	s20 =	smov.u32 s14;
	s19 =	simm.s32 @p1 $0x0;
	p1 =	sgt.s32 s14, $0x60  }
0x47: {  	s26 =	sand.u32 s25, s14;
	s18 =	smul.u32 s18, s19;
	s20 =	simm.s32 @!p1 $0x60  }
0x48: {  	p1 =	sgt.s32 s15, $0x100;
	s19 =	ssub.s32 s20, s26;
	s20 =	smov.u32 s15  }
0x49: {  	s21 =	sand.u32 s27, s15;
	s22 =	sadd.s32 $0xFFFFFFA0, s19;
	s20 =	simm.s32 @!p1 $0x100  }
0x4a: {  	s19 =	ssub.s32 $0xE0, s19;
	p1 =	sgt.s32 s22, $0x7F;
	s20 =	ssub.s32 s20, s21  }
0x4b: {  	s19 =	simm.s32 @p1 $0x0;
	s21 =	sadd.s32 $0xFFFFFF00, s20  }
0x4c: {  	s18 =	smul.u32 s19, s18;
	p1 =	sgt.s32 s21, $0x7F;
	s19 =	ssub.s32 $0x180, s20  }
0x4d: {  	s19 =	simm.s32 @p1 $0x0  }
0x4e: {  	s18 =	smul.u32 s19, s18;
	_ =	sdelay $0x1  }
0x4f: {  	s19 =	simm.s32 $0x1;
	s18 =	sand.u32 $0x3FFFFFFF, s18  }
0x50: {  	s19 =	simm.s32 @!p0 $0x0;
	_ =	swait.ge [sflag:s4], s18  }
0x51: {  	s28 =	sshll.u32 s19, $0xE;
	s18 =	ssub.s32 $0x0, s18;
	[sflag:s4] =	ssyncset.done $0x0  }
0x52: {  	s29 =	sor.u32 $0x40, s28;
	[sflag:s4] =	ssyncadd.s32 s18  }
0x53: {  	s30 =	smul.u32 $0x10200, s19;
	v0 =	vld [tilespmem:s29+$0x30]  }
0x54: {  	v1 =	vld [tilespmem:s29+$0xFFFFFFD0]  }
0x55: {  	s18 =	sshrl.u32 s30, $0x2;
	v5 =	vld [tilespmem:s29+$0xFFFFFFE0]  }
0x56: {  	s19 =	sor.u32 $0x8000, s18;
	v6 =	vld [tilespmem:s29+$0xFFFFFFF0]  }
0x57: {  	s31 =	sand.u32 $0x1, s9;
	v4 =	vld [tilespmem:s29+$0x0];
	s20 =	sadd.s32 $0x0, s19  }
0x58: {  	s18 =	smul.u32 $0x10200, s31;
	v2 =	vld [tilespmem:s29+$0x10];
	[tilespmem:s20+$0x3870 ss:$0x81] =	vst.msk $0xffff, v0  }
0x59: {  	v3 =	vld [tilespmem:s29+$0x20];
	[tilespmem:s20+$0x810 ss:$0x81] =	vst.msk $0xffff, v1  }
0x5a: {  	s21 =	sadd.s32 $0x80, s29;
	s18 =	sshrl.u32 s18, $0x2;
	v0 =	vld [tilespmem:s29+$0xFFFFFFC0];
	[tilespmem:s20+$0x1020 ss:$0x81] =	vst.msk $0xffff, v5  }
0x5b: {  	s23 =	simm.s32 $0x8;
	s22 =	simm.s32 $0x4;
	s18 =	sor.u32 $0x8000, s18;
	v1 =	vld [tilespmem:s21+$0x30];
	[tilespmem:s20+$0x1830 ss:$0x81] =	vst.msk $0xffff, v6  }
.LBB1_5:
0x5c: {  	p1 =	sne.s32 s23, $0x1FC;
	v5 =	vld [tilespmem:s21+$0xFFFFFFD0];
	[tilespmem:s20+$0x2040 ss:$0x81] =	vst.msk $0xffff, v4  }
0x5d: {  	v6 =	vld [tilespmem:s21+$0xFFFFFFE0];
	[tilespmem:s20+$0x2850 ss:$0x81] =	vst.msk $0xffff, v2  }
0x5e: {  	s24 =	sshra.s32 s22, $0x2;
	s22 =	smov.u32 s23;
	v7 =	vld [tilespmem:s21+$0xFFFFFFF0];
	[tilespmem:s20+$0x3060 ss:$0x81] =	vst.msk $0xffff, v3  }
.Ltmp5:
0x5f: {  	v4 =	vld [tilespmem:s21+$0x0];
	[tilespmem:s20+$0x0 ss:$0x81] =	vst.msk $0xffff, v0;
	s20 =	sadd.s32 s24, s19;
	(pc) =	sbr.rel @p1 .LBB1_5-.Ltmp5, $4  }
0x60: {  	v2 =	vld [tilespmem:s21+$0x10];
	[tilespmem:s20+$0x3870 ss:$0x81] =	vst.msk $0xffff, v1  }
0x61: {  	[tilespmem:s20+$0x810 ss:$0x81] =	vst.msk $0xffff, v5;
	v3 =	vld [tilespmem:s21+$0x20]  }
0x62: {  	v0 =	vld [tilespmem:s21+$0xFFFFFFC0];
	[tilespmem:s20+$0x1020 ss:$0x81] =	vst.msk $0xffff, v6;
	s21 =	sadd.s32 $0x80, s21  }
0x63: {  	s23 =	sadd.s32 $0x4, s23;
	v1 =	vld [tilespmem:s21+$0x30];
	[tilespmem:s20+$0x1830 ss:$0x81] =	vst.msk $0xffff, v7  }
0x64: {  	s23 =	sshll.u32 s17, $0x8;
	s24 =	sshll.u32 s14, $0x3;
	v5 =	vld [tilespmem:s21+$0xFFFFFFD0];
	[tilespmem:s20+$0x2040 ss:$0x81] =	vst.msk $0xffff, v4  }
0x65: {  	s26 =	sshll.u32 s17, $0x7;
	v58 =	vld [tilespmem:s21+$0xFFFFFFE0];
	s23 =	sand.u32 $0xFFFFF800, s23;
	s24 =	sand.u32 $0xFFFFFC00, s24;
	[tilespmem:s20+$0x2850 ss:$0x81] =	vst.msk $0xffff, v2  }
0x66: {  	s22 =	sshra.s32 s22, $0x2;
	v59 =	vld [tilespmem:s21+$0xFFFFFFF0];
	s27 =	sand.u32 $0x300, s26;
	s23 =	sadd.s32 s23, s24;
	[tilespmem:s20+$0x3060 ss:$0x81] =	vst.msk $0xffff, v3  }
0x67: {  	v60 =	vld [tilespmem:s21+$0x0];
	s19 =	sadd.s32 s22, s19;
	s23 =	sor.u32 s27, s23;
	[tilespmem:s20+$0x0 ss:$0x81] =	vst.msk $0xffff, v0  }
0x68: {  	v61 =	vld [tilespmem:s21+$0x10];
	s16 =	smul.u32 $0x2A0000, s16;
	s23 =	sshrl.u32 s23, $0x8;
	[tilespmem:s19+$0x3870 ss:$0x81] =	vst.msk $0xffff, v1  }
0x69: {  	v62 =	vld [tilespmem:s21+$0x20];
	s28 =	smulhi.u32 $0x124924A, s23;
	[tilespmem:s19+$0x810 ss:$0x81] =	vst.msk $0xffff, v5  }
0x6a: {  	v63 =	vld [tilespmem:s21+$0xFFFFFFC0];
	s29 =	sand.u32 $0x78, s14;
	s15 =	smul.u32 $0x1C00, s15;
	[tilespmem:s19+$0x1020 ss:$0x81] =	vst.msk $0xffff, v58  }
0x6b: {  	s30 =	sand.u32 $0x7, s14;
	s17 =	sand.u32 $0x80, s26;
	[tilespmem:s19+$0x1830 ss:$0x81] =	vst.msk $0xffff, v59;
	s20 =	smul.u32 $0xE0, s28  }
.Ltmp6:
0x6c: {  	s17 =	sor.u32 s29, s17;
	s16 =	sadd.s32 s3, s16;
	[tilespmem:s19+$0x2040 ss:$0x81] =	vst.msk $0xffff, v60;
	(pc) =	sbr.rel .LBB1_7-.Ltmp6, $4  }
0x6d: {  	s17 =	sshrl.u32 s17, $0x3;
	s15 =	sadd.s32 s15, s16;
	[tilespmem:s19+$0x2850 ss:$0x81] =	vst.msk $0xffff, v61;
	s20 =	ssub.s32 s23, s20  }
0x6e: {  	s14 =	sshll.u32 s30, $0x12;
	s15 =	sadd.s32 s17, s15;
	[tilespmem:s19+$0x3060 ss:$0x81] =	vst.msk $0xffff, v62;
	s31 =	sshll.u32 s20, $0x5  }
0x6f: {  	s14 =	sor.u32 $0x80, s14;
	[tilespmem:s19+$0x0 ss:$0x81] =	vst.msk $0xffff, v63;
	s15 =	sadd.s32 s31, s15  }
0x70: {  	[hbm4b:s15+s14] =	stream.strided.scatter [tilespmem:s18], [sflag:$0x2], $0x4000, s8, s14, $0x20;
	[tilespmem:$0x10100] =	vst v63  }
.LBB1_8:
0x71: {  	_ =	sfence.sel $0x180000  }
0x72: {  	s2 =	simm.s32 $0x1;
	[bflag:$0x0] =	sbarrier.arrive $0xFFFF  }
0x73: {  	s31 =	simm.s32 $0x2;
	[sflag:s2] =	ssyncpa.u1 $0x1  }
0x74: {  	[sflag:s31] =	ssyncpa.u1 $0x1  }
0x75: {  	p0 =	sne.s32 s1, $0x0;
	_ =	strace $0x90000047  }
0x76: {  	s0 =	sadd.s32 @!p0 $0x100000, s0;
	[bflag:$0x2] =	sbarrier.arrive $0xFFFF  }
0x77: {  	[sflag:s0] =	ssyncadd.tile.s32 @!p0 $0x1;
	_ =	shalt  }
.Lfunc_end1:
_tile_overlayer_lowered:
.L_overlay_start_2:
0x78: {  	(tag) =	ssettag $0x2  }
0x79: {  	s0 =	rddreg [dreg:$0x0];
	s2 =	stileid.u32  }
0x7a: {  	s1 =	rddreg [dreg:$0x1];
	p0 =	sne.s32 s2, $0x0  }
0x7b: {  	s3 =	rddreg [dreg:$0x2];
	[bflag:$0x3] =	sbarrier.arrive $0xFFFF;
	s2 =	simm.s32 @!p0 $0x1C01  }
0x7c: {  	[timem:s3], [sflag:s2] =	dma.local @!p0 [hbm:s0], s1  }
0x7d: {  	s0 =	simm.s32 @!p0 $0x1  }
0x7e: {  	_ =	swait.ge @!p0 [sflag:s0], s1  }
0x7f: {  	s1 =	ssub.s32 @!p0 $0x0, s1;
	[sflag:s0] =	ssyncset.done @!p0 $0x0  }
0x80: {  	[sflag:s0] =	ssyncadd.s32 @!p0 s1  }
0x81: {  	[bflag:$0x3] =	sbarrier.arrive $0xFFFF  }
0x82: {  	_ =	shalt  }

// kernel: sparse-core-data-format-call.cloned.1.call-start
scs
called_computation_lowered:
.L_overlay_start_0:
0x0: {  	s2 =	sld [smem:$0x3FD9]  }
0x1: {  	s3 =	sld [smem:$0x3FFE];
	_ =	sdelay $0x1  }
0x2: {  	s1 =	srdreg.scid  }
0x3: {  	s0 =	sand.u32 $0x1, s1  }
0x4: {  	s18 =	sshll.u32 s0, $0xA;
	s2 =	sadd.s32 s3, s2  }
0x5: {  	s2 =	sadd.s32 s2, s18  }
0x6: {  	[smem:$0x3FC7] =	sst s2  }
0x7: {  	_ = 	snop  }
0x8: {  	s2 =	sld [smem:$0x3FD0];
	(tm) =	ssettm $0x1  }
0x9: {  	s19 =	sld [smem:$0x3FFB];
	_ =	sdelay $0x3  }
0xa: {  	_ =	strace s19  }
0xb: {  	s3 =	sld [smem:$0x3FFC];
	_ =	sdelay $0x3  }
0xc: {  	_ =	strace s3  }
0xd: {  	s3 =	sld [smem:$0x3FFD];
	_ =	sdelay $0x3  }
0xe: {  	_ =	strace s3  }
0xf: {  	_ =	strace $0x8FFFFFFF  }
0x10: {  	s20 =	sld [smem:$0x3FDB];
	_ =	sdelay $0x1  }
0x11: {  	s4 =	simm.s32 $_scs_section_size  }
0x12: {  	s5 =	simm.s32 $_size__tile_overlayer_lowered;
	s6 =	simm.s32 $_tile_overlayer_lowered  }
0x13: {  	s23 =	simm.s32 $0x1BFF;
	s22 =	sshll.u32 s6, $0x1;
	s3 =	sadd.s32 s4, s20  }
0x14: {  	s7 =	simm.s32 $0x0;
	s21 =	sshll.u32 s5, $0x1;
	s5 =	sadd.s32 s22, s3  }
0x15: {  	[timem:s7], [sflag:s23] =	dma.local [hbm:s5], s21  }
0x16: {  	_ =	swait.ge [sflag:s23], s21  }
0x17: {  	s4 =	ssub.s32 $0x0, s21;
	[sflag:s23] =	ssyncset.done $0x0  }
0x18: {  	[sflag:s23] =	ssyncadd.s32 s4;
	_ =	sdelay $0x1  }
0x19: {  	s24 =	simm.s32 $0x1B8B  }
0x1a: {  	_ =	swait.ge [sflag:s24], $0x1  }
0x1b: {  	[sflag:s24] =	ssyncset.done $0x0  }
0x1c: {  	s26 =	simm.s32 $0x1B8E;
	s25 =	sld [smem:$0x3FFE];
	[sflag:s24] =	ssyncadd.s32 $0xFFFFFFFF  }
0x1d: {  	s27 =	simm.s32 $execute0_lowered;
	[smem:$0x3FD2] =	sst s26  }
0x1e: {  	s5 =	sshll.u32 s27, $0x1;
	_ =	strace $0x80000049;
	[dreg:$0x1] =	wrdreg $0xFFFFFFFF  }
0x1f: {  	s28 =	simm.s32 $_size_execute0_lowered;
	s3 =	sadd.s32 s3, s5;
	[dreg:$0x0] =	wrdreg $0x0  }
0x20: {  	s5 =	sshll.u32 s28, $0x1;
	[dreg:$0x2] =	wrdreg s3  }
0x21: {  	[dreg:$0x3] =	wrdreg s5  }
0x22: {  	[dreg:$0x4] =	wrdreg $0xC0  }
0x23: {  	_ =	task [dreg:s7], $0x5FFFF  }
0x24: {  	[dreg:$0x1] =	wrdreg $0xFFFFFFFF  }
0x25: {  	[dreg:$0x0] =	wrdreg $0x60  }
0x26: {  	[dreg:$0x2] =	wrdreg s25  }
0x27: {  	[dreg:$0x3] =	wrdreg s2  }
0x28: {  	[dreg:$0x4] =	wrdreg $0x9  }
0x29: {  	_ =	task.clear_ibuf [dreg:s7], $0x5FFFF;
	_ =	strace $0x90000049  }
0x2a: {  	s29 =	simm.s32 $0x9;
	_ =	strace $0x8000004B  }
0x2b: {  	_ =	swait.ge [sflag:s29], $0x1  }
0x2c: {  	[sflag:s29] =	ssyncadd.s32 $0xFFFFFFFF  }
0x2d: {  	_ =	strace $0x9000004B  }
0x2e: {  	_ =	sfence  }
0x2f: {  	s30 =	sld [smem:$0x0];
	_ =	sdelay $0x2  }
0x30: {  	s31 =	sshll.u32 s1, $0xD;
	s1 =	sshrl.u32 s1, $0x2  }
0x31: {  	s3 =	sand.u32 $0x4000, s31;
	s1 =	sadd.s32 s1, s30  }
0x32: {  	s0 =	sor.u32 s3, s0;
	s1 =	sshll.u32 s1, $0x11  }
0x33: {  	s0 =	sor.u32 s1, s0  }
0x34: {  	s0 =	sadd.s32 $0x8F2B, s0  }
0x35: {  	[sflag:s0] =	ssyncadd.remote.s32 $0x1  }
0x36: {  	_ =	sfence.sel $0xFFFF  }
0x37: {  	[dreg:$0x0] =	wrdreg $0xFFFFFFFF;
	(pc) =	sbr.abs _section_cstart, $3  }
0x38: {  	[dreg:$0x1] =	wrdreg $0xFFFFFFFF  }
0x39: {  	_ =	task.clear_ibuf [dreg:s7], $0x2FFFF;
	_ =	strace $0x9FFFFFFF  }
0x3a: {  	(tm) =	ssettm $0x7FFFFFFF  }
0x3b: {  	_ =	shalt  }
tec
execute0_lowered:
.L_overlay_start_1:
0x0: {  	(tag) =	ssettag $0x1  }
0x1: {  	s3 =	rddreg [dreg:$0x0]  }
0x2: {  	s2 =	rddreg [dreg:$0x1]  }
0x3: {  	s1 =	srdreg.scid;
	s0 =	rddreg [dreg:$0x2];
	_ =	strace $0x8000004A  }
0x4: {  	s7 =	simm.s32 $0x2;
	s17 =	simm.s32 $0x0;
	p0 =	por $0x0, $0x0  }
0x5: {  	s19 =	simm.s32 $0x0;
	s18 =	simm.s32 $0x0;
	s20 =	simm.s32 $0x0  }
0x6: {  	s8 =	simm.s32 $0x0;
	s9 =	simm.s32 $0x0;
	s11 =	simm.s32 $0x0  }
0x7: {  	s12 =	simm.s32 $0x0;
	s13 =	simm.s32 $0x0;
	s15 =	simm.s32 $0x0  }
.Ltmp0:
0x8: {  	s10 =	simm.s32 $0x0;
	s4 =	sshll.u32 s1, $0x4;
	(pc) =	sbr.rel .LBB1_1-.Ltmp0, $4  }
0x9: {  	s1 =	stileid.u32;
	s3 =	sadd.s32 $0x930800, s3;
	s4 =	sand.u32 $0x10, s4  }
0xa: {  	s5 =	sand.u32 $0x3, s1;
	s6 =	sor.u32 s1, s4;
	s4 =	simm.s32 $0x1  }
0xb: {  	s16 =	smov.u32 s5;
	[sflag:s4] =	ssyncpa.u1 $0x0;
	s6 =	sshrl.u32 s6, $0x2  }
0xc: {  	[sflag:s7] =	ssyncpa.u1 $0x0;
	s7 =	simm.s32 $0xC00;
	s14 =	smov.u32 s6  }
.LBB1_5:
0xd: {  	p1 =	slt.u32 s10, $0x2;
	s21 =	smov.u32 s20  }
0xe: {  	s24 =	smov.u32 s16;
	s10 =	sadd.s32 $0x1, s10;
	p2 =	sgt.s32 @!p1 s20, $0x3  }
0xf: {  	p0 =	por !p0, !p0;
	s22 =	sshra.s32 @!p1 s20, $0x1F;
	p2 =	por !p2, p1  }
0x10: {  	s23 =	sshra.s32 @!p1 s19, $0x1F;
	s20 =	sand.u32 @!p1 s22, s20;
	s21 =	simm.s32 @p2 $0x3  }
0x11: {  	s22 =	smov.u32 s19;
	p2 =	sgt.s32 @!p1 s19, $0xDF;
	s20 =	ssub.s32 @!p1 s21, s20  }
0x12: {  	s19 =	sand.u32 @!p1 s23, s19;
	p2 =	por !p2, p1;
	s21 =	sadd.s32 @!p1 $0xFFFFFFFD, s20  }
0x13: {  	s22 =	simm.s32 @p2 $0xDF;
	s20 =	ssub.s32 @!p1 $0x4, s20;
	p3 =	sgt.s32 @!p1 s21, $0x0  }
0x14: {  	s19 =	ssub.s32 @!p1 s22, s19;
	s22 =	sshra.s32 @!p1 s18, $0x1F;
	p2 =	por !p3, p1  }
0x15: {  	s21 =	sadd.s32 @!p1 $0xFFFFFF21, s19;
	s19 =	ssub.s32 @!p1 $0xE0, s19;
	s20 =	simm.s32 @!p2 $0x0  }
0x16: {  	p2 =	sgt.s32 @!p1 s18, $0x100;
	p3 =	sgt.s32 @!p1 s21, $0x0;
	s21 =	smov.u32 s18  }
0x17: {  	s18 =	sand.u32 @!p1 s22, s18;
	s22 =	sshra.s32 @!p1 s17, $0x1F;
	p2 =	por !p2, p1  }
0x18: {  	p3 =	por !p3, p1;
	s21 =	simm.s32 @p2 $0x100;
	p2 =	sgt.s32 @!p1 s17, $0x60  }
0x19: {  	s19 =	simm.s32 @!p3 $0x0;
	s18 =	ssub.s32 @!p1 s21, s18;
	p2 =	por !p2, p1  }
0x1a: {  	s21 =	smov.u32 s17;
	s17 =	sand.u32 @!p1 s22, s17;
	s22 =	sadd.s32 @!p1 $0xFFFFFF00, s18  }
0x1b: {  	s21 =	simm.s32 @p2 $0x60;
	s18 =	ssub.s32 @!p1 $0x180, s18;
	p2 =	sgt.s32 @!p1 s22, $0x7F  }
0x1c: {  	s17 =	ssub.s32 @!p1 s21, s17;
	s22 =	smov.u32 s14;
	p2 =	por !p2, p1  }
0x1d: {  	s21 =	sadd.s32 @!p1 $0xFFFFFFA0, s17;
	s17 =	ssub.s32 @!p1 $0xE0, s17;
	s18 =	simm.s32 @!p2 $0x0  }
0x1e: {  	p2 =	sgt.s32 @!p1 s21, $0x7F;
	s21 =	sadd.s32 $0x80, s13;
	s18 =	smul.u32 @!p1 s20, s18  }
0x1f: {  	p3 =	sgt.s32 s21, $0xDF;
	s20 =	sadd.s32 $0x8, s14;
	p2 =	por !p2, p1  }
0x20: {  	s23 =	smov.u32 s15;
	s22 =	smov.u32 @p3 s20;
	s17 =	simm.s32 @!p2 $0x0  }
0x21: {  	s18 =	smul.u32 @!p1 s19, s18;
	p2 =	sgt.s32 s22, $0xDF;
	s19 =	sadd.s32 $0x80, s15  }
0x22: {  	s25 =	simm.s32 @!p1 $0x2;
	s21 =	simm.s32 @p3 $0x0;
	s23 =	smov.u32 @p2 s19  }
0x23: {  	s17 =	smul.u32 @!p1 s17, s18;
	p3 =	sgt.s32 s23, $0x17F;
	s18 =	sadd.s32 $0x4, s16  }
0x24: {  	s20 =	smov.u32 s12;
	s12 =	smov.u32 s16;
	s24 =	smov.u32 @p3 s18  }
0x25: {  	s22 =	smov.u32 @p2 s6;
	s19 =	smov.u32 s9;
	p2 =	sgt.s32 s24, $0x3  }
0x26: {  	s9 =	smov.u32 s14;
	s24 =	smov.u32 @p2 s5;
	p2 =	sne.s32 s10, $0xAA  }
.Ltmp1:
0x27: {  	s14 =	smov.u32 s22;
	s23 =	simm.s32 @p3 $0x0;
	(pc) =	sbr.rel @!p2 .LBB1_6-.Ltmp1, $4  }
0x28: {  	s18 =	smov.u32 s11;
	s11 =	smov.u32 s15;
	s17 =	sand.u32 @!p1 $0x3FFFFFFF, s17  }
0x29: {  	s15 =	smov.u32 s23;
	_ =	swait.ge @!p1 [sflag:s25], s17;
	s26 =	ssub.s32 @!p1 $0x0, s17  }
0x2a: {  	s17 =	smov.u32 s8;
	s8 =	smov.u32 s13;
	[sflag:s25] =	ssyncset.done @!p1 $0x0  }
0x2b: {  	s13 =	smov.u32 s21;
	s16 =	smov.u32 s24;
	[sflag:s25] =	ssyncadd.s32 @!p1 s26  }
.LBB1_1:
0x2c: {  	p1 =	sgt.u32 s10, $0xA7  }
0x2d: {  	s21 =	sshll.u32 @!p1 s14, $0x8;
	s22 =	sshll.u32 @!p1 s13, $0x3  }
0x2e: {  	s23 =	sshll.u32 @!p1 s14, $0x7;
	s21 =	sand.u32 @!p1 $0xFFFFF800, s21;
	s22 =	sand.u32 @!p1 $0xFFFFFC00, s22  }
0x2f: {  	s21 =	sadd.s32 @!p1 s21, s22;
	s22 =	sand.u32 @!p1 $0x300, s23  }
0x30: {  	s21 =	sor.u32 @!p1 s22, s21  }
0x31: {  	s21 =	sshrl.u32 @!p1 s21, $0x8  }
0x32: {  	s22 =	smulhi.u32 @!p1 $0x124924A, s21  }
0x33: {  	s24 =	sxor.u32 @!p1 $0xFFFFFFFF, s10;
	s26 =	smul.u32 @!p1 $0x2A0000, s16  }
0x34: {  	s25 =	sand.u32 @!p1 $0x78, s13;
	s23 =	sand.u32 @!p1 $0x80, s23;
	s22 =	smul.u32 @!p1 $0xE0, s22  }
0x35: {  	s24 =	sshll.u32 @!p1 s24, $0xE;
	s23 =	sor.u32 @!p1 s25, s23;
	s25 =	smul.u32 @!p1 $0x1C00, s15  }
0x36: {  	s21 =	ssub.s32 @!p1 s21, s22;
	s22 =	sand.u32 @!p1 $0x4000, s24;
	s24 =	sadd.s32 @!p1 s3, s26  }
0x37: {  	s23 =	sshrl.u32 @!p1 s23, $0x3;
	s24 =	sadd.s32 @!p1 s25, s24;
	s25 =	sand.u32 @!p1 $0x7, s13  }
0x38: {  	s21 =	sshll.u32 @!p1 s21, $0x5;
	s23 =	sadd.s32 @!p1 s23, s24;
	s24 =	sshll.u32 @!p1 s25, $0x12  }
0x39: {  	s21 =	sadd.s32 @!p1 s21, s23;
	s23 =	sor.u32 @!p1 $0x80, s24;
	s24 =	simm.s32 @!p1 $0xE000  }
0x3a: {  	[tilespmem:s22], [sflag:$0x1] =	stream.strided.gather @!p1 [hbm4b:s21+s23], $0x4000, s24, s23, $0x38;
	[tilespmem:$0x10100] =	vst v63  }
0x3b: {  	p1 =	seq.s32 s10, $0x0  }
0x3c: {  	p2 =	seq.s32 @!p1 s10, $0xA9  }
0x3d: {  	p1 =	por p1, p2  }
.Ltmp2:
0x3e: {  	_ = 	snop;
	(pc) =	sbr.rel @p1 .LBB1_5-.Ltmp2, $1  }
0x3f: {  	_ =	sdelay $0x3  }
0x40: {  	s21 =	simm.s32 $0x1  }
0x41: {  	_ =	swait.ge [sflag:s4], $0x4000;
	s21 =	simm.s32 @!p0 $0x0  }
0x42: {  	[sflag:s4] =	ssyncset.done $0x0;
	s22 =	sshll.u32 s21, $0xE  }
0x43: {  	[sflag:s4] =	ssyncadd.s32 $0xFFFFC000;
	s22 =	sor.u32 $0x40, s22  }
0x44: {  	s21 =	smul.u32 $0x10200, s21;
	v0 =	vld [tilespmem:s22+$0x30]  }
0x45: {  	v1 =	vld [tilespmem:s22+$0xFFFFFFD0]  }
0x46: {  	s21 =	sshrl.u32 s21, $0x2;
	v5 =	vld [tilespmem:s22+$0xFFFFFFE0]  }
0x47: {  	v6 =	vld [tilespmem:s22+$0xFFFFFFF0];
	s23 =	sor.u32 $0x8000, s21  }
0x48: {  	s31 =	sand.u32 $0x1, s10;
	v4 =	vld [tilespmem:s22+$0x0];
	s24 =	sadd.s32 $0x0, s23  }
0x49: {  	v3 =	vld [tilespmem:s22+$0x10];
	s21 =	smul.u32 $0x10200, s31;
	[tilespmem:s24+$0x3870 ss:$0x81] =	vst.msk $0xffff, v0  }
0x4a: {  	v2 =	vld [tilespmem:s22+$0x20];
	[tilespmem:s24+$0x810 ss:$0x81] =	vst.msk $0xffff, v1  }
0x4b: {  	s21 =	sshrl.u32 s21, $0x2;
	v1 =	vld [tilespmem:s22+$0xFFFFFFC0];
	[tilespmem:s24+$0x1020 ss:$0x81] =	vst.msk $0xffff, v5;
	s22 =	sadd.s32 $0x80, s22  }
0x4c: {  	s25 =	simm.s32 $0x4;
	s26 =	simm.s32 $0x8;
	s21 =	sor.u32 $0x8000, s21;
	[tilespmem:s24+$0x1830 ss:$0x81] =	vst.msk $0xffff, v6;
	v0 =	vld [tilespmem:s22+$0x30]  }
.LBB1_3:
0x4d: {  	p1 =	sne.s32 s26, $0x1FC;
	v5 =	vld [tilespmem:s22+$0xFFFFFFD0];
	[tilespmem:s24+$0x2040 ss:$0x81] =	vst.msk $0xffff, v4  }
0x4e: {  	v6 =	vld [tilespmem:s22+$0xFFFFFFE0];
	[tilespmem:s24+$0x2850 ss:$0x81] =	vst.msk $0xffff, v3  }
0x4f: {  	s27 =	sshra.s32 s25, $0x2;
	s25 =	smov.u32 s26;
	v7 =	vld [tilespmem:s22+$0xFFFFFFF0];
	[tilespmem:s24+$0x3060 ss:$0x81] =	vst.msk $0xffff, v2  }
.Ltmp3:
0x50: {  	v4 =	vld [tilespmem:s22+$0x0];
	[tilespmem:s24+$0x0 ss:$0x81] =	vst.msk $0xffff, v1;
	s24 =	sadd.s32 s27, s23;
	(pc) =	sbr.rel @p1 .LBB1_3-.Ltmp3, $4  }
0x51: {  	v3 =	vld [tilespmem:s22+$0x10];
	[tilespmem:s24+$0x3870 ss:$0x81] =	vst.msk $0xffff, v0  }
0x52: {  	[tilespmem:s24+$0x810 ss:$0x81] =	vst.msk $0xffff, v5;
	v2 =	vld [tilespmem:s22+$0x20]  }
0x53: {  	v1 =	vld [tilespmem:s22+$0xFFFFFFC0];
	[tilespmem:s24+$0x1020 ss:$0x81] =	vst.msk $0xffff, v6;
	s22 =	sadd.s32 $0x80, s22  }
0x54: {  	s26 =	sadd.s32 $0x4, s26;
	v0 =	vld [tilespmem:s22+$0x30];
	[tilespmem:s24+$0x1830 ss:$0x81] =	vst.msk $0xffff, v7  }
0x55: {  	s26 =	sshrl.u32 s8, $0x3;
	s27 =	sshll.u32 s11, $0x3  }
0x56: {  	p1 =	sgt.s32 s12, $0x3;
	s28 =	smov.u32 s12;
	s29 =	sshra.s32 s12, $0x1F  }
0x57: {  	s30 =	sshll.u32 s8, $0x7;
	s25 =	sshra.s32 s25, $0x2;
	s26 =	smul.u32 $0xC00, s26  }
0x58: {  	s27 =	sand.u32 $0xFFFFFC00, s27;
	s28 =	simm.s32 @!p1 $0x3;
	s29 =	sand.u32 s29, s12  }
0x59: {  	s30 =	sand.u32 $0x380, s30;
	p1 =	sgt.s32 s9, $0xDF;
	s23 =	sadd.s32 s25, s23  }
0x5a: {  	s28 =	ssub.s32 s28, s29;
	s29 =	smov.u32 s9;
	s26 =	sadd.s32 s27, s26  }
0x5b: {  	s31 =	sadd.s32 $0xFFFFFFFD, s28;
	s29 =	simm.s32 @!p1 $0xDF;
	p1 =	sgt.s32 s11, $0x100  }
0x5c: {  	s26 =	sor.u32 s30, s26;
	p2 =	sgt.s32 s31, $0x0;
	s30 =	sshra.s32 s9, $0x1F  }
0x5d: {  	s31 =	sshra.s32 s11, $0x1F;
	s27 =	sand.u32 s30, s9;
	s30 =	smov.u32 s11  }
0x5e: {  	s27 =	ssub.s32 s29, s27;
	s30 =	simm.s32 @!p1 $0x100;
	s29 =	sand.u32 s31, s11  }
0x5f: {  	s28 =	ssub.s32 $0x4, s28;
	s31 =	sand.u32 $0x7F, s11;
	s29 =	ssub.s32 s30, s29  }
0x60: {  	s30 =	sadd.s32 $0xFFFFFF21, s27;
	s31 =	sor.u32 s31, s26;
	s26 =	smulhi.u32 $0xAAAAAAAB, s26  }
0x61: {  	p3 =	sgt.s32 s30, $0x0;
	s30 =	sadd.s32 $0xFFFFFF00, s29;
	s29 =	ssub.s32 $0x180, s29  }
0x62: {  	p1 =	sgt.s32 s30, $0x7F;
	s30 =	smulhi.u32 $0xAAAAAAAB, s31;
	s26 =	sshrl.u32 s26, $0x8  }
0x63: {  	[tilespmem:s24+$0x2040 ss:$0x81] =	vst.msk $0xffff, v4;
	s28 =	simm.s32 @p2 $0x0;
	s25 =	smulhi.u32 $0x124924A, s26;
	s29 =	simm.s32 @p1 $0x0  }
0x64: {  	v5 =	vld [tilespmem:s22+$0xFFFFFFD0];
	[tilespmem:s24+$0x2850 ss:$0x81] =	vst.msk $0xffff, v3;
	s30 =	sshrl.u32 s30, $0x8;
	s28 =	smul.u32 s28, s29  }
0x65: {  	v58 =	vld [tilespmem:s22+$0xFFFFFFE0];
	[tilespmem:s24+$0x3060 ss:$0x81] =	vst.msk $0xffff, v2;
	s27 =	ssub.s32 $0xE0, s27;
	s30 =	smul.u32 $0x180, s30  }
0x66: {  	v59 =	vld [tilespmem:s22+$0xFFFFFFF0];
	[tilespmem:s24+$0x0 ss:$0x81] =	vst.msk $0xffff, v1;
	s24 =	smov.u32 s8;
	s27 =	simm.s32 @p3 $0x0;
	s25 =	smul.u32 $0xE0, s25  }
0x67: {  	v60 =	vld [tilespmem:s22+$0x0];
	p1 =	sgt.s32 s8, $0x60;
	s29 =	sshra.s32 s8, $0x1F;
	s27 =	smul.u32 s27, s28  }
0x68: {  	v61 =	vld [tilespmem:s22+$0x10];
	[tilespmem:s23+$0x3870 ss:$0x81] =	vst.msk $0xffff, v0;
	s24 =	simm.s32 @!p1 $0x60;
	s29 =	sand.u32 s29, s8;
	s28 =	smul.u32 $0x24C000, s12  }
0x69: {  	v62 =	vld [tilespmem:s22+$0x20];
	[tilespmem:s23+$0x810 ss:$0x81] =	vst.msk $0xffff, v5;
	s24 =	ssub.s32 s24, s29;
	s29 =	smul.u32 $0x2A00, s9  }
0x6a: {  	v63 =	vld [tilespmem:s22+$0xFFFFFFC0];
	[tilespmem:s23+$0x1020 ss:$0x81] =	vst.msk $0xffff, v58;
	s30 =	ssub.s32 s31, s30;
	s31 =	ssub.s32 s26, s25;
	s26 =	sadd.s32 $0xFFFFFFA0, s24  }
0x6b: {  	[tilespmem:s23+$0x1830 ss:$0x81] =	vst.msk $0xffff, v59;
	s24 =	ssub.s32 $0xE0, s24;
	p1 =	sgt.s32 s26, $0x7F;
	s22 =	smul.u32 $0x30, s31  }
.Ltmp4:
0x6c: {  	[tilespmem:s23+$0x2040 ss:$0x81] =	vst.msk $0xffff, v60;
	s26 =	sadd.s32 s2, s28;
	s24 =	simm.s32 @p1 $0x0;
	(pc) =	sbr.rel .LBB1_5-.Ltmp4, $4  }
0x6d: {  	[tilespmem:s23+$0x2850 ss:$0x81] =	vst.msk $0xffff, v61;
	s31 =	sand.u32 $0x7, s30;
	s25 =	sadd.s32 s29, s26;
	s24 =	smul.u32 s24, s27  }
0x6e: {  	[tilespmem:s23+$0x3060 ss:$0x81] =	vst.msk $0xffff, v62;
	s28 =	sshrl.u32 s30, $0x3;
	s29 =	sshll.u32 s31, $0x12;
	s22 =	sadd.s32 s22, s25  }
0x6f: {  	[tilespmem:s23+$0x0 ss:$0x81] =	vst.msk $0xffff, v63;
	s31 =	sor.u32 $0x400, s29;
	s22 =	sadd.s32 s28, s22;
	s30 =	sand.u32 $0x3FFFFFFF, s24  }
0x70: {  	[hbm4b:s22+s31] =	stream.strided.scatter [tilespmem:s21], [sflag:$0x2], s30, s7, s31, $0x20;
	[tilespmem:$0x10100] =	vst v63  }
.LBB1_6:
0x71: {  	_ =	sfence.sel $0x180000  }
0x72: {  	s2 =	simm.s32 $0x1;
	[bflag:$0x0] =	sbarrier.arrive $0xFFFF  }
0x73: {  	s31 =	simm.s32 $0x2;
	[sflag:s2] =	ssyncpa.u1 $0x1  }
0x74: {  	[sflag:s31] =	ssyncpa.u1 $0x1  }
0x75: {  	p0 =	sne.s32 s1, $0x0;
	_ =	strace $0x9000004A  }
0x76: {  	s0 =	sadd.s32 @!p0 $0x100000, s0;
	[bflag:$0x2] =	sbarrier.arrive $0xFFFF  }
0x77: {  	[sflag:s0] =	ssyncadd.tile.s32 @!p0 $0x1;
	_ =	shalt  }
.Lfunc_end1:
_tile_overlayer_lowered:
.L_overlay_start_2:
0x78: {  	(tag) =	ssettag $0x2  }
0x79: {  	s0 =	rddreg [dreg:$0x0];
	s2 =	stileid.u32  }
0x7a: {  	s1 =	rddreg [dreg:$0x1];
	p0 =	sne.s32 s2, $0x0  }
0x7b: {  	s3 =	rddreg [dreg:$0x2];
	[bflag:$0x3] =	sbarrier.arrive $0xFFFF;
	s2 =	simm.s32 @!p0 $0x1C01  }
0x7c: {  	[timem:s3], [sflag:s2] =	dma.local @!p0 [hbm:s0], s1  }
0x7d: {  	s0 =	simm.s32 @!p0 $0x1  }
0x7e: {  	_ =	swait.ge @!p0 [sflag:s0], s1  }
0x7f: {  	s1 =	ssub.s32 @!p0 $0x0, s1;
	[sflag:s0] =	ssyncset.done @!p0 $0x0  }
0x80: {  	[sflag:s0] =	ssyncadd.s32 @!p0 s1  }
0x81: {  	[bflag:$0x3] =	sbarrier.arrive $0xFFFF  }
0x82: {  	_ =	shalt  }

</sc_bundles>
